<compile_context>
chip_gen: v7x
topology: tpu7x:2x2x1
jax: 0.10.2.dev20260603
libtpu: 0.0.44.dev20260713+nightly
codegen_flags: <defaults>
</compile_context>

<pallas_src>
import functools

import jax
import jax.numpy as jnp
from jax import lax
from jax.experimental import pallas as pl
from jax.experimental.pallas import tpu as pltpu
from jax.experimental.pallas import tpu_sc as plsc

D_MODEL = 1024
NUM_WORKERS = 32
CHUNK = 32
NBUF = 3


def _gather_body(b_per_w, n_chunks, segs_per_batch, ids_hbm, table_hbm,
                 out_hbm, idx_v, rows_v, gsems, ssems):
    nc = 2
    wid = lax.axis_index("s") * nc + lax.axis_index("c")
    batch = wid // segs_per_batch
    seg = lax.rem(wid, segs_per_batch)
    base = wid * b_per_w

    pltpu.sync_copy(ids_hbm.at[batch, pl.ds(seg * b_per_w, b_per_w)], idx_v)

    def gather(c, buf):
        return pltpu.make_async_copy(
            table_hbm.at[idx_v.at[pl.ds(c * CHUNK, CHUNK)]],
            rows_v.at[buf],
            gsems.at[buf],
        )

    def scatter(c, buf):
        return pltpu.make_async_copy(
            rows_v.at[buf],
            out_hbm.at[pl.ds(base + c * CHUNK, CHUNK)],
            ssems.at[buf],
        )

    for k in range(NBUF):
        gather(k, k).start()

    def body(c, carry):
        buf = lax.rem(c, NBUF)

        @pl.when(c >= 1)
        def _():
            pbuf = lax.rem(c - 1, NBUF)
            scatter(c - 1, pbuf).wait()

            @pl.when(c - 1 + NBUF < n_chunks)
            def _():
                gather(c - 1 + NBUF, pbuf).start()

        gather(c, buf).wait()
        scatter(c, buf).start()
        return carry

    lax.fori_loop(0, n_chunks, body, 0)
    scatter(n_chunks - 1, lax.rem(n_chunks - 1, NBUF)).wait()


def kernel(position_ids, positional_encoding):
    batch, seq = position_ids.shape
    n_rows = batch * seq
    b_per_w = n_rows // NUM_WORKERS
    n_chunks = b_per_w // CHUNK
    segs_per_batch = seq // b_per_w

    ids = position_ids.astype(jnp.int32)

    mesh = plsc.VectorSubcoreMesh(core_axis_name="c", subcore_axis_name="s")
    body = functools.partial(_gather_body, b_per_w, n_chunks, segs_per_batch)
    out = pl.kernel(
        body,
        out_type=jax.ShapeDtypeStruct((n_rows, D_MODEL), jnp.float32),
        mesh=mesh,
        scratch_types=[
            pltpu.VMEM((b_per_w,), jnp.int32),
            pltpu.VMEM((NBUF, CHUNK, D_MODEL), jnp.float32),
            pltpu.SemaphoreType.DMA((NBUF,)),
            pltpu.SemaphoreType.DMA((NBUF,)),
        ],
    )(ids, positional_encoding)
    return out.reshape(batch, seq, D_MODEL)

# --- scband reference (transcript-rebuilt; emitter-appended) ---
"""Pipeline reference for scband-sinusoidal-positional-encoding-13984413515963 (READ-ONLY COPY).

The authoritative reference and input builder live on the scoring server;
editing this copy changes nothing except your own understanding.
"""

import jax, jax.numpy as jnp
import numpy as np
import math

BLOCK_SIZE = 8192
D_MODEL = 1024

def _build_pe(block_size, d_model):
    positions = jnp.arange(block_size, dtype=jnp.float32)[:, None]
    div_term = jnp.exp(jnp.arange(0, d_model, 2).astype(jnp.float32) * (-math.log(10000.0) / d_model))
    angles = positions * div_term
    pe = jnp.zeros((block_size, d_model), dtype=jnp.float32)
    pe = pe.at[:, 0::2].set(jnp.sin(angles))
    pe = pe.at[:, 1::2].set(jnp.cos(angles))
    return pe

def setup_inputs(seed: int = 0) -> dict:
    key = jax.random.key(seed)
    position_ids = jax.random.randint(key, (4, 8192), 0, BLOCK_SIZE).astype(jnp.int64)
    positional_encoding = _build_pe(BLOCK_SIZE, D_MODEL)
    return {"position_ids": position_ids, "positional_encoding": positional_encoding}

def reference(position_ids, positional_encoding):
    # x = self.positional_encoding[position_ids]
    x = jnp.take(positional_encoding, position_ids, axis=0)
    return x

if __name__ == "__main__":
    import jax
    _d = setup_inputs()
    print(jax.jit(kernel)(*tuple(_d.values())))

</pallas_src>

<mosaic_0001>
#map = affine_map<(d0, d1) -> (0, 0)>
module attributes {stable_mosaic.version = 14 : i64} {
  func.func @_gather_body(%arg0: i32, %arg1: i32, %arg2: memref<4x8192xi32, #tpu.memory_space<hbm>>, %arg3: memref<8192x1024xf32, #tpu.memory_space<hbm>>, %arg4: memref<32768x1024xf32, #tpu.memory_space<hbm>>, %arg5: memref<1024xi32, #tpu.memory_space<vmem>>, %arg6: memref<3x32x1024xf32, #tpu.memory_space<vmem>>, %arg7: memref<3x!tpu.dma_semaphore, #tpu.memory_space<semaphore_mem>>, %arg8: memref<3x!tpu.dma_semaphore, #tpu.memory_space<semaphore_mem>>) attributes {dimension_semantics = [#tpu.dimension_semantics<core_parallel>, #tpu.dimension_semantics<subcore_parallel>], iteration_bounds = array<i64: 2, 16>, scalar_prefetch = 0 : i64, scratch_operands = 4 : i64, tpu.core_type = #tpu.core_type<sc_vector_subcore>, window_params = [{transform_indices = #map}, {transform_indices = #map}, {transform_indices = #map}]} {
    %mul3A = arith.constant 2 : i32
    %mul3A_0 = arith.muli %arg1, %mul3A : i32
    %add3A = arith.addi %mul3A_0, %arg0 : i32
    %jit3A = arith.constant 8 : i32
    %div3A = arith.divsi %add3A, %jit3A : i32
    %sign3A = arith.constant 0 : i32
    %sign3A_1 = arith.cmpi sgt, %add3A, %sign3A : i32
    %sign3A_2 = arith.extui %sign3A_1 : i1 to i32
    %sign3A_3 = arith.constant 0 : i32
    %sign3A_4 = arith.cmpi slt, %add3A, %sign3A_3 : i32
    %sign3A_5 = arith.extui %sign3A_4 : i1 to i32
    %sign3A_6 = arith.subi %sign3A_2, %sign3A_5 : i32
    %sign3A_7 = arith.constant 0 : i32
    %sign3A_8 = arith.cmpi sgt, %jit3A, %sign3A_7 : i32
    %sign3A_9 = arith.extui %sign3A_8 : i1 to i32
    %sign3A_10 = arith.constant 0 : i32
    %sign3A_11 = arith.cmpi slt, %jit3A, %sign3A_10 : i32
    %sign3A_12 = arith.extui %sign3A_11 : i1 to i32
    %sign3A_13 = arith.subi %sign3A_9, %sign3A_12 : i32
    %ne3A = arith.cmpi ne, %sign3A_6, %sign3A_13 : i32
    %rem3A = arith.remsi %add3A, %jit3A : i32
    %ne3A_14 = arith.constant 0 : i32
    %ne3A_15 = arith.cmpi ne, %rem3A, %ne3A_14 : i32
    %and3A = arith.andi %ne3A, %ne3A_15 : i1
    %sub3A = arith.constant 1 : i32
    %sub3A_16 = arith.subi %div3A, %sub3A : i32
    %select_n3A = arith.select %and3A, %sub3A_16, %div3A : i32
    %rem3A_17 = arith.constant 8 : i32
    %rem3A_18 = arith.remsi %add3A, %rem3A_17 : i32
    %mul3A_19 = arith.constant 1024 : i32
    %mul3A_20 = arith.muli %add3A, %mul3A_19 : i32
    %mul3A_21 = arith.constant 1024 : i32
    %mul3A_22 = arith.muli %rem3A_18, %mul3A_21 : i32
    "tpu.region"() ({
      %run_scoped3A = tpu.sem_alloc : memref<!tpu.dma_semaphore, #tpu.memory_space<semaphore_mem>>
      %dma_start3A_84 = tpu.memref_slice %arg2[%select_n3A, %mul3A_22] : memref<4x8192xi32, #tpu.memory_space<hbm>> -> memref<1x1024xi32, #tpu.memory_space<hbm>>
      %dma_start3A_85 = tpu.memref_squeeze %dma_start3A_84 : memref<1x1024xi32, #tpu.memory_space<hbm>> -> memref<1024xi32, #tpu.memory_space<hbm>>
      %dma_start3A_86 = tpu.memref_slice %arg2[%select_n3A, %mul3A_22] : memref<4x8192xi32, #tpu.memory_space<hbm>> -> memref<1x1024xi32, #tpu.memory_space<hbm>>
      %dma_start3A_87 = tpu.memref_squeeze %dma_start3A_86 : memref<1x1024xi32, #tpu.memory_space<hbm>> -> memref<1024xi32, #tpu.memory_space<hbm>>
      tpu.enqueue_dma source(%dma_start3A_87 : memref<1024xi32, #tpu.memory_space<hbm>>) target(%arg5 : memref<1024xi32, #tpu.memory_space<vmem>>) target_semaphore(%run_scoped3A : memref<!tpu.dma_semaphore, #tpu.memory_space<semaphore_mem>>)
      %dma_wait3A_88 = tpu.memref_slice %arg2[%select_n3A, %mul3A_22] : memref<4x8192xi32, #tpu.memory_space<hbm>> -> memref<1x1024xi32, #tpu.memory_space<hbm>>
      %dma_wait3A_89 = tpu.memref_squeeze %dma_wait3A_88 : memref<1x1024xi32, #tpu.memory_space<hbm>> -> memref<1024xi32, #tpu.memory_space<hbm>>
      %dma_wait3A_90 = tpu.memref_slice %arg2[%select_n3A, %mul3A_22] : memref<4x8192xi32, #tpu.memory_space<hbm>> -> memref<1x1024xi32, #tpu.memory_space<hbm>>
      %dma_wait3A_91 = tpu.memref_squeeze %dma_wait3A_90 : memref<1x1024xi32, #tpu.memory_space<hbm>> -> memref<1024xi32, #tpu.memory_space<hbm>>
      tpu.wait_dma2 semaphore(%run_scoped3A : memref<!tpu.dma_semaphore, #tpu.memory_space<semaphore_mem>>) src(%dma_wait3A_91 : memref<1024xi32, #tpu.memory_space<hbm>>) dst(%arg5 : memref<1024xi32, #tpu.memory_space<vmem>>)
      tpu.yield
    }) : () -> ()
    %dma_start3A = arith.constant 0 : i32
    %dma_start3A_23 = arith.constant 0 : i32
    %dma_start3A_24 = arith.constant 0 : i32
    %dma_start3A_25 = arith.constant 0 : i32
    %dma_start3A_26 = tpu.memref_slice %arg6[%dma_start3A, %dma_start3A_24, %dma_start3A_25] : memref<3x32x1024xf32, #tpu.memory_space<vmem>> -> memref<1x32x1024xf32, #tpu.memory_space<vmem>>
    %dma_start3A_27 = tpu.memref_squeeze %dma_start3A_26 : memref<1x32x1024xf32, #tpu.memory_space<vmem>> -> memref<32x1024xf32, #tpu.memory_space<vmem>>
    %dma_start3A_28 = arith.constant 0 : i32
    %dma_start3A_29 = tpu.memref_slice %arg5[%dma_start3A_28] : memref<1024xi32, #tpu.memory_space<vmem>> -> memref<32xi32, #tpu.memory_space<vmem>>
    %dma_start3A_30 = arith.constant 0 : i32
    %dma_start3A_31 = arith.constant 0 : i32
    %dma_start3A_32 = tpu.memref_slice %arg3[%dma_start3A_30, %dma_start3A_31] : memref<8192x1024xf32, #tpu.memory_space<hbm>> -> memref<8192x1024xf32, #tpu.memory_space<hbm>>
    %dma_start3A_33 = tpu.memref_slice %arg7[%dma_start3A_23] : memref<3x!tpu.dma_semaphore, #tpu.memory_space<semaphore_mem>> -> memref<1x!tpu.dma_semaphore, #tpu.memory_space<semaphore_mem>>
    %dma_start3A_34 = tpu.memref_squeeze %dma_start3A_33 : memref<1x!tpu.dma_semaphore, #tpu.memory_space<semaphore_mem>> -> memref<!tpu.dma_semaphore, #tpu.memory_space<semaphore_mem>>
    tpu.enqueue_indirect_dma source(%dma_start3A_32 : memref<8192x1024xf32, #tpu.memory_space<hbm>>) target(%dma_start3A_27 : memref<32x1024xf32, #tpu.memory_space<vmem>>) offsets(%dma_start3A_29 : memref<32xi32, #tpu.memory_space<vmem>>) semaphore(%dma_start3A_34 : memref<!tpu.dma_semaphore, #tpu.memory_space<semaphore_mem>>)
    %dma_start3A_35 = arith.constant 1 : i32
    %dma_start3A_36 = arith.constant 1 : i32
    %dma_start3A_37 = arith.constant 0 : i32
    %dma_start3A_38 = arith.constant 0 : i32
    %dma_start3A_39 = tpu.memref_slice %arg6[%dma_start3A_35, %dma_start3A_37, %dma_start3A_38] : memref<3x32x1024xf32, #tpu.memory_space<vmem>> -> memref<1x32x1024xf32, #tpu.memory_space<vmem>>
    %dma_start3A_40 = tpu.memref_squeeze %dma_start3A_39 : memref<1x32x1024xf32, #tpu.memory_space<vmem>> -> memref<32x1024xf32, #tpu.memory_space<vmem>>
    %dma_start3A_41 = arith.constant 32 : i32
    %dma_start3A_42 = tpu.memref_slice %arg5[%dma_start3A_41] : memref<1024xi32, #tpu.memory_space<vmem>> -> memref<32xi32, #tpu.memory_space<vmem>>
    %dma_start3A_43 = arith.constant 0 : i32
    %dma_start3A_44 = arith.constant 0 : i32
    %dma_start3A_45 = tpu.memref_slice %arg3[%dma_start3A_43, %dma_start3A_44] : memref<8192x1024xf32, #tpu.memory_space<hbm>> -> memref<8192x1024xf32, #tpu.memory_space<hbm>>
    %dma_start3A_46 = tpu.memref_slice %arg7[%dma_start3A_36] : memref<3x!tpu.dma_semaphore, #tpu.memory_space<semaphore_mem>> -> memref<1x!tpu.dma_semaphore, #tpu.memory_space<semaphore_mem>>
    %dma_start3A_47 = tpu.memref_squeeze %dma_start3A_46 : memref<1x!tpu.dma_semaphore, #tpu.memory_space<semaphore_mem>> -> memref<!tpu.dma_semaphore, #tpu.memory_space<semaphore_mem>>
    tpu.enqueue_indirect_dma source(%dma_start3A_45 : memref<8192x1024xf32, #tpu.memory_space<hbm>>) target(%dma_start3A_40 : memref<32x1024xf32, #tpu.memory_space<vmem>>) offsets(%dma_start3A_42 : memref<32xi32, #tpu.memory_space<vmem>>) semaphore(%dma_start3A_47 : memref<!tpu.dma_semaphore, #tpu.memory_space<semaphore_mem>>)
    %dma_start3A_48 = arith.constant 2 : i32
    %dma_start3A_49 = arith.constant 2 : i32
    %dma_start3A_50 = arith.constant 0 : i32
    %dma_start3A_51 = arith.constant 0 : i32
    %dma_start3A_52 = tpu.memref_slice %arg6[%dma_start3A_48, %dma_start3A_50, %dma_start3A_51] : memref<3x32x1024xf32, #tpu.memory_space<vmem>> -> memref<1x32x1024xf32, #tpu.memory_space<vmem>>
    %dma_start3A_53 = tpu.memref_squeeze %dma_start3A_52 : memref<1x32x1024xf32, #tpu.memory_space<vmem>> -> memref<32x1024xf32, #tpu.memory_space<vmem>>
    %dma_start3A_54 = arith.constant 64 : i32
    %dma_start3A_55 = tpu.memref_slice %arg5[%dma_start3A_54] : memref<1024xi32, #tpu.memory_space<vmem>> -> memref<32xi32, #tpu.memory_space<vmem>>
    %dma_start3A_56 = arith.constant 0 : i32
    %dma_start3A_57 = arith.constant 0 : i32
    %dma_start3A_58 = tpu.memref_slice %arg3[%dma_start3A_56, %dma_start3A_57] : memref<8192x1024xf32, #tpu.memory_space<hbm>> -> memref<8192x1024xf32, #tpu.memory_space<hbm>>
    %dma_start3A_59 = tpu.memref_slice %arg7[%dma_start3A_49] : memref<3x!tpu.dma_semaphore, #tpu.memory_space<semaphore_mem>> -> memref<1x!tpu.dma_semaphore, #tpu.memory_space<semaphore_mem>>
    %dma_start3A_60 = tpu.memref_squeeze %dma_start3A_59 : memref<1x!tpu.dma_semaphore, #tpu.memory_space<semaphore_mem>> -> memref<!tpu.dma_semaphore, #tpu.memory_space<semaphore_mem>>
    tpu.enqueue_indirect_dma source(%dma_start3A_58 : memref<8192x1024xf32, #tpu.memory_space<hbm>>) target(%dma_start3A_53 : memref<32x1024xf32, #tpu.memory_space<vmem>>) offsets(%dma_start3A_55 : memref<32xi32, #tpu.memory_space<vmem>>) semaphore(%dma_start3A_60 : memref<!tpu.dma_semaphore, #tpu.memory_space<semaphore_mem>>)
    %scan3A = arith.constant 0 : i32
    %scan3A_61 = arith.constant 0 : i32
    %scan3A_62 = arith.constant 32 : i32
    %scan3A_63 = arith.addi %scan3A_61, %scan3A_62 : i32
    %scan3A_64 = arith.constant 1 : i32
    scf.for %scan3A_84 = %scan3A_61 to %scan3A_63 step %scan3A_64  : i32 {
      %rem3A_85 = arith.constant 3 : i32
      %rem3A_86 = arith.remsi %scan3A_84, %rem3A_85 : i32
      %ge3A = arith.constant 1 : i32
      %ge3A_87 = arith.cmpi sge, %scan3A_84, %ge3A : i32
      %convert_element_type3A = arith.extui %ge3A_87 : i1 to i32
      %cond3A = arith.constant 0 : i32
      %cond3A_88 = arith.cmpi ne, %convert_element_type3A, %cond3A : i32
      scf.if %cond3A_88 {
        %sub3A_118 = arith.constant 1 : i32
        %sub3A_119 = arith.subi %scan3A_84, %sub3A_118 : i32
        %rem3A_120 = arith.constant 3 : i32
        %rem3A_121 = arith.remsi %sub3A_119, %rem3A_120 : i32
        %sub3A_122 = arith.constant 1 : i32
        %sub3A_123 = arith.subi %scan3A_84, %sub3A_122 : i32
        %mul3A_124 = arith.constant 32 : i32
        %mul3A_125 = arith.muli %sub3A_123, %mul3A_124 : i32
        %add3A_126 = arith.addi %mul3A_20, %mul3A_125 : i32
        %dma_wait3A_127 = arith.constant 0 : i32
        %dma_wait3A_128 = arith.constant 0 : i32
        %dma_wait3A_129 = tpu.memref_slice %arg6[%rem3A_121, %dma_wait3A_127, %dma_wait3A_128] : memref<3x32x1024xf32, #tpu.memory_space<vmem>> -> memref<1x32x1024xf32, #tpu.memory_space<vmem>>
        %dma_wait3A_130 = tpu.memref_squeeze %dma_wait3A_129 : memref<1x32x1024xf32, #tpu.memory_space<vmem>> -> memref<32x1024xf32, #tpu.memory_space<vmem>>
        %dma_wait3A_131 = arith.constant 0 : i32
        %dma_wait3A_132 = tpu.memref_slice %arg4[%add3A_126, %dma_wait3A_131] : memref<32768x1024xf32, #tpu.memory_space<hbm>> -> memref<32x1024xf32, #tpu.memory_space<hbm>>
        %dma_wait3A_133 = tpu.memref_slice %arg8[%rem3A_121] : memref<3x!tpu.dma_semaphore, #tpu.memory_space<semaphore_mem>> -> memref<1x!tpu.dma_semaphore, #tpu.memory_space<semaphore_mem>>
        %dma_wait3A_134 = tpu.memref_squeeze %dma_wait3A_133 : memref<1x!tpu.dma_semaphore, #tpu.memory_space<semaphore_mem>> -> memref<!tpu.dma_semaphore, #tpu.memory_space<semaphore_mem>>
        %dma_wait3A_135 = arith.constant 0 : i32
        %dma_wait3A_136 = tpu.memref_slice %arg4[%add3A_126, %dma_wait3A_135] : memref<32768x1024xf32, #tpu.memory_space<hbm>> -> memref<32x1024xf32, #tpu.memory_space<hbm>>
        %dma_wait3A_137 = arith.constant 0 : i32
        %dma_wait3A_138 = arith.constant 0 : i32
        %dma_wait3A_139 = tpu.memref_slice %arg6[%rem3A_121, %dma_wait3A_137, %dma_wait3A_138] : memref<3x32x1024xf32, #tpu.memory_space<vmem>> -> memref<1x32x1024xf32, #tpu.memory_space<vmem>>
        %dma_wait3A_140 = tpu.memref_squeeze %dma_wait3A_139 : memref<1x32x1024xf32, #tpu.memory_space<vmem>> -> memref<32x1024xf32, #tpu.memory_space<vmem>>
        tpu.wait_dma2 semaphore(%dma_wait3A_134 : memref<!tpu.dma_semaphore, #tpu.memory_space<semaphore_mem>>) src(%dma_wait3A_140 : memref<32x1024xf32, #tpu.memory_space<vmem>>) dst(%dma_wait3A_136 : memref<32x1024xf32, #tpu.memory_space<hbm>>)
        %sub3A_141 = arith.constant 1 : i32
        %sub3A_142 = arith.subi %scan3A_84, %sub3A_141 : i32
        %add3A_143 = arith.constant 3 : i32
        %add3A_144 = arith.addi %sub3A_142, %add3A_143 : i32
        %lt3A = arith.constant 32 : i32
        %lt3A_145 = arith.cmpi slt, %add3A_144, %lt3A : i32
        %convert_element_type3A_146 = arith.extui %lt3A_145 : i1 to i32
        %cond3A_147 = arith.constant 0 : i32
        %cond3A_148 = arith.cmpi ne, %convert_element_type3A_146, %cond3A_147 : i32
        scf.if %cond3A_148 {
          %sub3A_149 = arith.constant 1 : i32
          %sub3A_150 = arith.subi %scan3A_84, %sub3A_149 : i32
          %add3A_151 = arith.constant 3 : i32
          %add3A_152 = arith.addi %sub3A_150, %add3A_151 : i32
          %mul3A_153 = arith.constant 32 : i32
          %mul3A_154 = arith.muli %add3A_152, %mul3A_153 : i32
          %dma_start3A_155 = arith.constant 0 : i32
          %dma_start3A_156 = arith.constant 0 : i32
          %dma_start3A_157 = tpu.memref_slice %arg6[%rem3A_121, %dma_start3A_155, %dma_start3A_156] : memref<3x32x1024xf32, #tpu.memory_space<vmem>> -> memref<1x32x1024xf32, #tpu.memory_space<vmem>>
          %dma_start3A_158 = tpu.memref_squeeze %dma_start3A_157 : memref<1x32x1024xf32, #tpu.memory_space<vmem>> -> memref<32x1024xf32, #tpu.memory_space<vmem>>
          %dma_start3A_159 = tpu.memref_slice %arg5[%mul3A_154] : memref<1024xi32, #tpu.memory_space<vmem>> -> memref<32xi32, #tpu.memory_space<vmem>>
          %dma_start3A_160 = arith.constant 0 : i32
          %dma_start3A_161 = arith.constant 0 : i32
          %dma_start3A_162 = tpu.memref_slice %arg3[%dma_start3A_160, %dma_start3A_161] : memref<8192x1024xf32, #tpu.memory_space<hbm>> -> memref<8192x1024xf32, #tpu.memory_space<hbm>>
          %dma_start3A_163 = tpu.memref_slice %arg7[%rem3A_121] : memref<3x!tpu.dma_semaphore, #tpu.memory_space<semaphore_mem>> -> memref<1x!tpu.dma_semaphore, #tpu.memory_space<semaphore_mem>>
          %dma_start3A_164 = tpu.memref_squeeze %dma_start3A_163 : memref<1x!tpu.dma_semaphore, #tpu.memory_space<semaphore_mem>> -> memref<!tpu.dma_semaphore, #tpu.memory_space<semaphore_mem>>
          tpu.enqueue_indirect_dma source(%dma_start3A_162 : memref<8192x1024xf32, #tpu.memory_space<hbm>>) target(%dma_start3A_158 : memref<32x1024xf32, #tpu.memory_space<vmem>>) offsets(%dma_start3A_159 : memref<32xi32, #tpu.memory_space<vmem>>) semaphore(%dma_start3A_164 : memref<!tpu.dma_semaphore, #tpu.memory_space<semaphore_mem>>)
        } else {
        }
      } else {
      }
      %mul3A_89 = arith.constant 32 : i32
      %mul3A_90 = arith.muli %scan3A_84, %mul3A_89 : i32
      %dma_wait3A_91 = arith.constant 0 : i32
      %dma_wait3A_92 = arith.constant 0 : i32
      %dma_wait3A_93 = tpu.memref_slice %arg6[%rem3A_86, %dma_wait3A_91, %dma_wait3A_92] : memref<3x32x1024xf32, #tpu.memory_space<vmem>> -> memref<1x32x1024xf32, #tpu.memory_space<vmem>>
      %dma_wait3A_94 = tpu.memref_squeeze %dma_wait3A_93 : memref<1x32x1024xf32, #tpu.memory_space<vmem>> -> memref<32x1024xf32, #tpu.memory_space<vmem>>
      %dma_wait3A_95 = tpu.memref_slice %arg5[%mul3A_90] : memref<1024xi32, #tpu.memory_space<vmem>> -> memref<32xi32, #tpu.memory_space<vmem>>
      %dma_wait3A_96 = arith.constant 0 : i32
      %dma_wait3A_97 = arith.constant 0 : i32
      %dma_wait3A_98 = tpu.memref_slice %arg3[%dma_wait3A_96, %dma_wait3A_97] : memref<8192x1024xf32, #tpu.memory_space<hbm>> -> memref<8192x1024xf32, #tpu.memory_space<hbm>>
      %dma_wait3A_99 = tpu.memref_slice %arg7[%rem3A_86] : memref<3x!tpu.dma_semaphore, #tpu.memory_space<semaphore_mem>> -> memref<1x!tpu.dma_semaphore, #tpu.memory_space<semaphore_mem>>
      %dma_wait3A_100 = tpu.memref_squeeze %dma_wait3A_99 : memref<1x!tpu.dma_semaphore, #tpu.memory_space<semaphore_mem>> -> memref<!tpu.dma_semaphore, #tpu.memory_space<semaphore_mem>>
      tpu.wait_indirect_dma semaphore(%dma_wait3A_100 : memref<!tpu.dma_semaphore, #tpu.memory_space<semaphore_mem>>) src(%dma_wait3A_98 : memref<8192x1024xf32, #tpu.memory_space<hbm>>) dst(%dma_wait3A_94 : memref<32x1024xf32, #tpu.memory_space<vmem>>)
      %mul3A_101 = arith.constant 32 : i32
      %mul3A_102 = arith.muli %scan3A_84, %mul3A_101 : i32
      %add3A_103 = arith.addi %mul3A_20, %mul3A_102 : i32
      %dma_start3A_104 = arith.constant 0 : i32
      %dma_start3A_105 = arith.constant 0 : i32
      %dma_start3A_106 = tpu.memref_slice %arg6[%rem3A_86, %dma_start3A_104, %dma_start3A_105] : memref<3x32x1024xf32, #tpu.memory_space<vmem>> -> memref<1x32x1024xf32, #tpu.memory_space<vmem>>
      %dma_start3A_107 = tpu.memref_squeeze %dma_start3A_106 : memref<1x32x1024xf32, #tpu.memory_space<vmem>> -> memref<32x1024xf32, #tpu.memory_space<vmem>>
      %dma_start3A_108 = arith.constant 0 : i32
      %dma_start3A_109 = tpu.memref_slice %arg4[%add3A_103, %dma_start3A_108] : memref<32768x1024xf32, #tpu.memory_space<hbm>> -> memref<32x1024xf32, #tpu.memory_space<hbm>>
      %dma_start3A_110 = tpu.memref_slice %arg8[%rem3A_86] : memref<3x!tpu.dma_semaphore, #tpu.memory_space<semaphore_mem>> -> memref<1x!tpu.dma_semaphore, #tpu.memory_space<semaphore_mem>>
      %dma_start3A_111 = tpu.memref_squeeze %dma_start3A_110 : memref<1x!tpu.dma_semaphore, #tpu.memory_space<semaphore_mem>> -> memref<!tpu.dma_semaphore, #tpu.memory_space<semaphore_mem>>
      %dma_start3A_112 = arith.constant 0 : i32
      %dma_start3A_113 = tpu.memref_slice %arg4[%add3A_103, %dma_start3A_112] : memref<32768x1024xf32, #tpu.memory_space<hbm>> -> memref<32x1024xf32, #tpu.memory_space<hbm>>
      %dma_start3A_114 = arith.constant 0 : i32
      %dma_start3A_115 = arith.constant 0 : i32
      %dma_start3A_116 = tpu.memref_slice %arg6[%rem3A_86, %dma_start3A_114, %dma_start3A_115] : memref<3x32x1024xf32, #tpu.memory_space<vmem>> -> memref<1x32x1024xf32, #tpu.memory_space<vmem>>
      %dma_start3A_117 = tpu.memref_squeeze %dma_start3A_116 : memref<1x32x1024xf32, #tpu.memory_space<vmem>> -> memref<32x1024xf32, #tpu.memory_space<vmem>>
      tpu.enqueue_dma source(%dma_start3A_117 : memref<32x1024xf32, #tpu.memory_space<vmem>>) target(%dma_start3A_113 : memref<32x1024xf32, #tpu.memory_space<hbm>>) target_semaphore(%dma_start3A_111 : memref<!tpu.dma_semaphore, #tpu.memory_space<semaphore_mem>>)
    }
    %scan3A_65 = arith.constant 32 : i32
    %rem3A_66 = arith.constant 31 : i32
    %rem3A_67 = arith.constant 3 : i32
    %rem3A_68 = arith.remsi %rem3A_66, %rem3A_67 : i32
    %add3A_69 = arith.constant 992 : i32
    %add3A_70 = arith.addi %mul3A_20, %add3A_69 : i32
    %dma_wait3A = arith.constant 0 : i32
    %dma_wait3A_71 = arith.constant 0 : i32
    %dma_wait3A_72 = tpu.memref_slice %arg6[%rem3A_68, %dma_wait3A, %dma_wait3A_71] : memref<3x32x1024xf32, #tpu.memory_space<vmem>> -> memref<1x32x1024xf32, #tpu.memory_space<vmem>>
    %dma_wait3A_73 = tpu.memref_squeeze %dma_wait3A_72 : memref<1x32x1024xf32, #tpu.memory_space<vmem>> -> memref<32x1024xf32, #tpu.memory_space<vmem>>
    %dma_wait3A_74 = arith.constant 0 : i32
    %dma_wait3A_75 = tpu.memref_slice %arg4[%add3A_70, %dma_wait3A_74] : memref<32768x1024xf32, #tpu.memory_space<hbm>> -> memref<32x1024xf32, #tpu.memory_space<hbm>>
    %dma_wait3A_76 = tpu.memref_slice %arg8[%rem3A_68] : memref<3x!tpu.dma_semaphore, #tpu.memory_space<semaphore_mem>> -> memref<1x!tpu.dma_semaphore, #tpu.memory_space<semaphore_mem>>
    %dma_wait3A_77 = tpu.memref_squeeze %dma_wait3A_76 : memref<1x!tpu.dma_semaphore, #tpu.memory_space<semaphore_mem>> -> memref<!tpu.dma_semaphore, #tpu.memory_space<semaphore_mem>>
    %dma_wait3A_78 = arith.constant 0 : i32
    %dma_wait3A_79 = tpu.memref_slice %arg4[%add3A_70, %dma_wait3A_78] : memref<32768x1024xf32, #tpu.memory_space<hbm>> -> memref<32x1024xf32, #tpu.memory_space<hbm>>
    %dma_wait3A_80 = arith.constant 0 : i32
    %dma_wait3A_81 = arith.constant 0 : i32
    %dma_wait3A_82 = tpu.memref_slice %arg6[%rem3A_68, %dma_wait3A_80, %dma_wait3A_81] : memref<3x32x1024xf32, #tpu.memory_space<vmem>> -> memref<1x32x1024xf32, #tpu.memory_space<vmem>>
    %dma_wait3A_83 = tpu.memref_squeeze %dma_wait3A_82 : memref<1x32x1024xf32, #tpu.memory_space<vmem>> -> memref<32x1024xf32, #tpu.memory_space<vmem>>
    tpu.wait_dma2 semaphore(%dma_wait3A_77 : memref<!tpu.dma_semaphore, #tpu.memory_space<semaphore_mem>>) src(%dma_wait3A_83 : memref<32x1024xf32, #tpu.memory_space<vmem>>) dst(%dma_wait3A_79 : memref<32x1024xf32, #tpu.memory_space<hbm>>)
    return
  }
}

</mosaic_0001>

<sc_bundles>
// kernel: kernel.3.cloned.1.call-start
scs
__scs_entry_jumppad:
0x0: {  	(pc) =	sbr.rel $0x88, $3  }
0x1: {  	(tag) =	ssettag $0x0;
	lr =	simm.s32 $0x1  }
0x2: {  	[smem:$0x3F9F] =	sst lr;
	_ =	strace $0xD0000000  }
0x3: {  	_ = 	snop  }
0x4: {  	_ = 	snop  }
0x5: {  	_ = 	snop  }
0x6: {  	_ = 	snop  }
0x7: {  	_ = 	snop  }
__scs_overlays_trampoline_lowered:
0x8: {  	[smem:$0x3FAE] =	sst s0  }
0x9: {  	[smem:$0x3FAF] =	sst s1  }
0xa: {  	[smem:$0x3FB0] =	sst s2  }
0xb: {  	[smem:$0x3FB1] =	sst s3  }
0xc: {  	[smem:$0x3FB2] =	sst s4  }
0xd: {  	[smem:$0x3FB3] =	sst s5  }
0xe: {  	[smem:$0x3FB4] =	sst s6  }
0xf: {  	[smem:$0x3FB5] =	sst s7  }
0x10: {  	[smem:$0x3FB6] =	sst s8  }
0x11: {  	[smem:$0x3FB7] =	sst s9;
	s0 =	simm.s32 @!p0 $0x0  }
0x12: {  	s1 =	sld [smem:$0x3F9D];
	s0 =	simm.s32 @p0 $0x1  }
0x13: {  	[smem:$0x3FB8] =	sst s0;
	s0 =	simm.s32 @!p1 $0x0  }
0x14: {  	s2 =	sld [smem:$0x3F9C];
	s0 =	simm.s32 @p1 $0x1  }
0x15: {  	[smem:$0x3FB9] =	sst s0;
	s0 =	simm.s32 @!p2 $0x0  }
0x16: {  	s3 =	sld [smem:$0x3FDB];
	s0 =	simm.s32 @p2 $0x1  }
0x17: {  	s4 =	simm.s32 $0x1BF5;
	[smem:$0x3FBB] =	sst s0  }
0x18: {  	s0 =	sld [smem:$0x3F9E];
	_ =	swait.ge [sflag:s4], $0x0  }
0x19: {  	s7 =	sld [smem:$0x3F9F]  }
0x1a: {  	s8 =	sadd.s32 $0xFFFFE003, lr  }
0x1b: {  	s9 =	sadd.s32 $0xFFFFFEF7, lr;
	s5 =	simm.s32 $0xFFFFFFFF;
	p2 =	slt.u32 s8, $0xFFFFF086  }
0x1c: {  	p1 =	slt.u32 s9, $0xF7A;
	s5 =	simm.s32 @!p2 $0x0  }
0x1d: {  	s5 =	simm.s32 @p1 $0x1;
	p0 =	seq.s32 s7, s2  }
0x1e: {  	s7 =	smul.u32 @!p0 $0xF7A, s2;
	p2 =	seq.s32 @!p0 s5, $0x0  }
0x1f: {  	s9 =	smul.u32 $0xF7A, s1;
	s8 =	simm.s32 @!p0 $0x1BF5;
	p2 =	por !p2, p0  }
0x20: {  	[sflag:s8] =	ssyncset.s32 @!p0 $0xFFFFF086;
	s6 =	sadd.s32 @!p0 s3, s7;
	s7 =	simm.s32 @!p0 $0x108  }
0x21: {  	s3 =	sadd.s32 s3, s9;
	s6 =	sadd.s32 @!p0 $0x88, s6;
	s7 =	simm.s32 @p2 $0x1082  }
0x22: {  	[simem:s7], [sflag:s8] =	dma.local @!p0 [hbm:s6], $0xF7A  }
0x23: {  	s9 =	sor.u32 $0xD0000000, s2;
	s6 =	simm.s32 $0x108;
	_ =	swait.ge @!p0 [sflag:s8], $0x0  }
0x24: {  	s3 =	sadd.s32 $0x88, s3;
	s6 =	simm.s32 @!p1 $0x1082;
	[sflag:s4] =	ssyncset.s32 $0xFFFFF086  }
0x25: {  	[simem:s6], [sflag:s4] =	dma.local [hbm:s3], $0xF7A  }
0x26: {  	[smem:$0x3F9F] =	sst s1;
	(tag) =	ssettag s2;
	_ =	strace s9  }
0x27: {  	s1 =	sld [smem:$0x3FAF]  }
0x28: {  	s2 =	sld [smem:$0x3FB0]  }
0x29: {  	s4 =	sld [smem:$0x3FB2]  }
0x2a: {  	p0 =	seq.s32 s5, $0x0;
	s5 =	sld [smem:$0x3FB3]  }
0x2b: {  	s6 =	sld [smem:$0x3FB4]  }
0x2c: {  	s7 =	sld [smem:$0x3FB5]  }
0x2d: {  	s3 =	simm.s32 $0x108;
	s8 =	sld [smem:$0x3FB6]  }
0x2e: {  	s3 =	simm.s32 @!p0 $0x1082;
	s9 =	sld [smem:$0x3FB7]  }
0x2f: {  	lr =	sadd.s32 s0, s3;
	s0 =	sld [smem:$0x3FAE]  }
0x30: {  	s3 =	sld [smem:$0x3FB1]  }
0x31: {  	[smem:$0x3FBA] =	sst s10  }
0x32: {  	s10 =	sld [smem:$0x3FB8];
	_ =	sdelay $0x3  }
0x33: {  	p0 =	seq.s32 s10, $0x1;
	s10 =	sld [smem:$0x3FBA];
	_ =	sdelay $0x3  }
0x34: {  	[smem:$0x3FBA] =	sst s10  }
0x35: {  	s10 =	sld [smem:$0x3FB9];
	_ =	sdelay $0x3  }
0x36: {  	p1 =	seq.s32 s10, $0x1;
	s10 =	sld [smem:$0x3FBA];
	_ =	sdelay $0x3  }
0x37: {  	[smem:$0x3FBA] =	sst s10  }
0x38: {  	s10 =	sld [smem:$0x3FBB]  }
0x39: {  	_ = 	snop;
	(pc) =	sbr.ind lr, $3  }
0x3a: {  	_ = 	snop  }
0x3b: {  	_ = 	snop  }
0x3c: {  	p2 =	seq.s32 s10, $0x1;
	s10 =	sld [smem:$0x3FBA]  }
0x3d: {  	_ =	shalt  }
0x3e: {  	_ =	shalt  }
0x3f: {  	_ =	shalt  }
0x40: {  	_ =	shalt  }
0x41: {  	_ =	shalt  }
0x42: {  	_ =	shalt  }
0x43: {  	_ =	shalt  }
0x44: {  	_ =	shalt  }
0x45: {  	_ =	shalt  }
0x46: {  	_ =	shalt  }
0x47: {  	_ =	shalt  }
0x48: {  	_ =	shalt  }
0x49: {  	_ =	shalt  }
0x4a: {  	_ =	shalt  }
0x4b: {  	_ =	shalt  }
0x4c: {  	_ =	shalt  }
0x4d: {  	_ =	shalt  }
0x4e: {  	_ =	shalt  }
0x4f: {  	_ =	shalt  }
0x50: {  	_ =	shalt  }
0x51: {  	_ =	shalt  }
0x52: {  	_ =	shalt  }
0x53: {  	_ =	shalt  }
0x54: {  	_ =	shalt  }
0x55: {  	_ =	shalt  }
0x56: {  	_ =	shalt  }
0x57: {  	_ =	shalt  }
0x58: {  	_ =	shalt  }
0x59: {  	_ =	shalt  }
0x5a: {  	_ =	shalt  }
0x5b: {  	_ =	shalt  }
0x5c: {  	_ =	shalt  }
0x5d: {  	_ =	shalt  }
0x5e: {  	_ =	shalt  }
0x5f: {  	_ =	shalt  }
0x60: {  	_ =	shalt  }
0x61: {  	_ =	shalt  }
0x62: {  	_ =	shalt  }
0x63: {  	_ =	shalt  }
0x64: {  	_ =	shalt  }
0x65: {  	_ =	shalt  }
0x66: {  	_ =	shalt  }
0x67: {  	_ =	shalt  }
0x68: {  	_ =	shalt  }
0x69: {  	_ =	shalt  }
0x6a: {  	_ =	shalt  }
0x6b: {  	_ =	shalt  }
0x6c: {  	_ =	shalt  }
0x6d: {  	_ =	shalt  }
0x6e: {  	_ =	shalt  }
0x6f: {  	_ =	shalt  }
0x70: {  	_ =	shalt  }
0x71: {  	_ =	shalt  }
0x72: {  	_ =	shalt  }
0x73: {  	_ =	shalt  }
0x74: {  	_ =	shalt  }
0x75: {  	_ =	shalt  }
0x76: {  	_ =	shalt  }
0x77: {  	_ =	shalt  }
0x78: {  	_ =	shalt  }
0x79: {  	_ =	shalt  }
0x7a: {  	_ =	shalt  }
0x7b: {  	_ =	shalt  }
0x7c: {  	_ =	shalt  }
0x7d: {  	_ =	shalt  }
0x7e: {  	_ =	shalt  }
0x7f: {  	_ =	shalt  }
0x80: {  	_ =	shalt  }
0x81: {  	_ =	shalt  }
0x82: {  	_ =	shalt  }
0x83: {  	_ =	shalt  }
0x84: {  	_ =	shalt  }
0x85: {  	_ =	shalt  }
0x86: {  	_ =	shalt  }
0x87: {  	_ =	shalt  }
.Lfunc_end0:
.L_simem_size_0:
called_computation_lowered:
.L_overlay_start_0:
0x88: {  	s2 =	sld [smem:$0x3FD9]  }
0x89: {  	s3 =	sld [smem:$0x3FFE];
	_ =	sdelay $0x1  }
0x8a: {  	s1 =	srdreg.scid  }
0x8b: {  	s0 =	sand.u32 $0x1, s1  }
0x8c: {  	s18 =	sshll.u32 s0, $0xA;
	s2 =	sadd.s32 s3, s2  }
0x8d: {  	s2 =	sadd.s32 s2, s18  }
0x8e: {  	[smem:$0x3FC6] =	sst s2  }
0x8f: {  	_ = 	snop  }
0x90: {  	s2 =	sld [smem:$0x3FC9]  }
0x91: {  	s19 =	sld [smem:$0x3FC8]  }
0x92: {  	s4 =	sld [smem:$0x3FD0];
	(tm) =	ssettm $0x1  }
0x93: {  	s5 =	sld [smem:$0x3FFB];
	_ =	sdelay $0x3  }
0x94: {  	_ =	strace s5  }
0x95: {  	s5 =	sld [smem:$0x3FFC];
	_ =	sdelay $0x3  }
0x96: {  	_ =	strace s5  }
0x97: {  	s5 =	sld [smem:$0x3FFD];
	_ =	sdelay $0x3  }
0x98: {  	_ =	strace s5  }
0x99: {  	_ =	strace $0x8FFFFFFF  }
0x9a: {  	s20 =	sld [smem:$0x3FDB];
	_ =	sdelay $0x1  }
0x9b: {  	s6 =	simm.s32 $_scs_section_size  }
0x9c: {  	s7 =	simm.s32 $_size__tile_overlayer_lowered;
	s8 =	simm.s32 $_tile_overlayer_lowered  }
0x9d: {  	s23 =	simm.s32 $0x1BFF;
	s22 =	sshll.u32 s8, $0x1;
	s5 =	sadd.s32 s6, s20  }
0x9e: {  	s9 =	simm.s32 $0x0;
	s21 =	sshll.u32 s7, $0x1;
	s7 =	sadd.s32 s22, s5  }
0x9f: {  	[timem:s9], [sflag:s23] =	dma.local [hbm:s7], s21  }
0xa0: {  	_ =	swait.ge [sflag:s23], s21  }
0xa1: {  	s6 =	ssub.s32 $0x0, s21;
	[sflag:s23] =	ssyncset.done $0x0  }
0xa2: {  	[sflag:s23] =	ssyncadd.s32 s6;
	_ =	sdelay $0x1  }
0xa3: {  	s24 =	simm.s32 $0x1B8B  }
0xa4: {  	_ =	swait.ge [sflag:s24], $0x1  }
0xa5: {  	[sflag:s24] =	ssyncset.done $0x0  }
0xa6: {  	s25 =	simm.s32 $0x1B8E;
	[sflag:s24] =	ssyncadd.s32 $0xFFFFFFFF  }
0xa7: {  	s26 =	simm.s32 $execute0_lowered;
	[smem:$0x3FD2] =	sst s25  }
0xa8: {  	s6 =	sshll.u32 s26, $0x1;
	_ =	strace $0x80000046;
	[dreg:$0x1] =	wrdreg $0xFFFFFFFF  }
0xa9: {  	s28 =	simm.s32 $_size_execute0_lowered;
	s5 =	sadd.s32 s5, s6;
	[dreg:$0x0] =	wrdreg $0x0  }
0xaa: {  	s6 =	sshll.u32 s28, $0x1;
	[dreg:$0x2] =	wrdreg s5  }
0xab: {  	[dreg:$0x3] =	wrdreg s6  }
0xac: {  	[dreg:$0x4] =	wrdreg $0xC0  }
0xad: {  	_ =	task [dreg:s9], $0x5FFFF  }
0xae: {  	[dreg:$0x1] =	wrdreg $0xFFFFFFFF  }
0xaf: {  	[dreg:$0x0] =	wrdreg $0x60  }
0xb0: {  	[dreg:$0x2] =	wrdreg s2  }
0xb1: {  	[dreg:$0x3] =	wrdreg s19  }
0xb2: {  	[dreg:$0x4] =	wrdreg s4  }
0xb3: {  	[dreg:$0x5] =	wrdreg $0x9  }
0xb4: {  	_ =	task.clear_ibuf [dreg:s9], $0x6FFFF;
	_ =	strace $0x90000046  }
0xb5: {  	s29 =	simm.s32 $0x9;
	_ =	strace $0x80000048  }
0xb6: {  	_ =	swait.ge [sflag:s29], $0x1  }
0xb7: {  	[sflag:s29] =	ssyncadd.s32 $0xFFFFFFFF  }
0xb8: {  	_ =	strace $0x90000048  }
0xb9: {  	_ =	sfence  }
0xba: {  	s30 =	sld [smem:$0x0];
	_ =	sdelay $0x2  }
0xbb: {  	s31 =	sshll.u32 s1, $0xD;
	s1 =	sshrl.u32 s1, $0x2  }
0xbc: {  	s3 =	sand.u32 $0x4000, s31;
	s1 =	sadd.s32 s1, s30  }
0xbd: {  	s0 =	sor.u32 s3, s0;
	s1 =	sshll.u32 s1, $0x11  }
0xbe: {  	s0 =	sor.u32 s1, s0  }
0xbf: {  	s0 =	sadd.s32 $0x8F2B, s0  }
0xc0: {  	[sflag:s0] =	ssyncadd.remote.s32 $0x1  }
0xc1: {  	_ =	sfence.sel $0xFFFF  }
0xc2: {  	[dreg:$0x0] =	wrdreg $0xFFFFFFFF;
	(pc) =	sbr.abs _section_cstart, $3  }
0xc3: {  	[dreg:$0x1] =	wrdreg $0xFFFFFFFF  }
0xc4: {  	_ =	task.clear_ibuf [dreg:s9], $0x2FFFF;
	_ =	strace $0x9FFFFFFF  }
0xc5: {  	(tm) =	ssettm $0x7FFFFFFF  }
tec
execute0_lowered:
.L_overlay_start_1:
0x0: {  	(tag) =	ssettag $0x1  }
0x1: {  	s0 =	rddreg [dreg:$0x0]  }
0x2: {  	s1 =	rddreg [dreg:$0x1]  }
0x3: {  	s2 =	rddreg [dreg:$0x2]  }
0x4: {  	s3 =	simm.s32 $0x0;
	s4 =	srdreg.scid;
	s10 =	stileid.u32  }
0x5: {  	s12 =	simm.s32 $0x7;
	s28 =	simm.s32 $0x12400;
	s29 =	simm.s32 $0x12C00  }
0x6: {  	s30 =	simm.s32 $0x13400;
	s31 =	simm.s32 $0x13C00;
	s11 =	simm.s32 $0x15C00  }
0x7: {  	s13 =	simm.s32 $0x16400;
	s14 =	simm.s32 $0x16C00;
	s15 =	simm.s32 $0x17400  }
0x8: {  	s16 =	simm.s32 $0x17C00;
	s17 =	simm.s32 $0x5;
	s18 =	simm.s32 $0x0  }
0x9: {  	[smem:$0x7FF] =	sst s3;
	s9 =	sand.u32 $0x1, s4;
	s22 =	sshll.u32 s10, $0xA  }
0xa: {  	s6 =	sshll.u32 s10, $0x2;
	s25 =	sshll.u32 s10, $0x12;
	s10 =	simm.s32 $0x15400  }
0xb: {  	_ =	strace $0x80000047;
	s5 =	sshll.u32 s9, $0x9;
	s7 =	ssub.s32 $0x2, s9  }
0xc: {  	s23 =	sand.u32 $0x30, s6;
	s6 =	sadd.s32 $0x200, s1;
	s26 =	sshll.u32 s9, $0x11  }
.Ltmp0:
0xd: {  	s4 =	sor.u32 s5, s22;
	s24 =	sshrl.u32 s7, $0x1;
	(pc) =	sbr.rel .LBB2_1-.Ltmp0, $4  }
0xe: {  	s0 =	sadd.s32 s0, s23;
	s5 =	sadd.s32 $0x100, s1;
	s4 =	sand.u32 $0xE00, s4  }
0xf: {  	v2 =	vlaneseq.u32;
	s8 =	ssub.s32 s7, s24;
	s7 =	sadd.s32 $0x300, s1;
	s4 =	sadd.s32 s4, s0  }
0x10: {  	vm0 =	vmmov $0xffff;
	v1 =	vshrl.u32 v2, $0x3;
	s8 =	smax.u32 s8, $0x1;
	s0 =	sadd.s32 s25, s2;
	s2 =	simm.s32 $0x14C00  }
0x11: {  	v0 =	vand.u32 $0x7, v2;
	v2 =	vor.u32 $0x8, v2;
	v1 =	vmul.u32 $0x8, v1;
	s20 =	sadd.s32 s26, s0;
	s26 =	simm.s32 $0x11C00;
	s0 =	simm.s32 $0x14400  }
.LBB2_5:
0x12: {  	s18 =	sadd.s32 $0x1, s18  }
0x13: {  	p0 =	sne.s32 s18, s8  }
.Ltmp1:
0x14: {  	_ = 	snop;
	(pc) =	sbr.rel @!p0 .LBB2_6-.Ltmp1, $4  }
0x15: {  	_ = 	snop  }
0x16: {  	_ =	swait.ge [sflag:s17], $0x8000  }
0x17: {  	[sflag:s17] =	ssyncset.done $0x0  }
0x18: {  	[sflag:s17] =	ssyncadd.s32 $0xFFFF8000  }
.LBB2_1:
0x19: {  	s9 =	simm.s32 $0x80;
	s19 =	simm.s32 $0x200  }
0x1a: {  	[tilespmem:s3], [sflag:$0x7] =	stream.strided.gather [hbm4b:s4+s9], $0x400, s19, s9, $0x38;
	[tilespmem:$0x18400] =	vst v63  }
0x1b: {  	_ =	swait.ge [sflag:s12], $0x400  }
0x1c: {  	[sflag:s12] =	ssyncset.done $0x0  }
0x1d: {  	[sflag:s12] =	ssyncadd.s32 $0xFFFFFC00  }
0x1e: {  	v3 =	vld [tilespmem:$0x0];
	_ =	sdelay $0x4  }
0x1f: {  	v4 =	vshll.u32 v3, $0x3  }
0x20: {  	v3 =	vand.u32 $0x7, v3;
	v4 =	vand.u32 $0xFFFFFFC0, v4  }
0x21: {  	v3 =	vor.u32 v3, v4  }
0x22: {  	v4 =	vperm.xlane v3, v0;
	_ =	sdelay $0x1  }
0x23: {  	v4 =	vadd.s32 v1, v4;
	_ =	sdelay $0x3  }
0x24: {  	s21 =	simm.s32 $0x400  }
0x25: {  	[tilespmem:s21], [sflag:$0x1] =	stream.indirect_vreg.gather [hbm4b:s1+s3], $0x80, v4, vm0, $0xb8;
	[tilespmem:$0x18400] =	vst v63  }
0x26: {  	s22 =	simm.s32 $0xC00;
	v3 =	vperm.xlane v3, v2  }
0x27: {  	[tilespmem:s22], [sflag:$0x1] =	stream.indirect_vreg.gather [hbm4b:s5+s3], $0x80, v4, vm0, $0xb8;
	[tilespmem:$0x18400] =	vst v63  }
0x28: {  	s23 =	simm.s32 $0x1400;
	v3 =	vadd.s32 v1, v3  }
0x29: {  	[tilespmem:s23], [sflag:$0x1] =	stream.indirect_vreg.gather [hbm4b:s6+s3], $0x80, v4, vm0, $0xb8;
	[tilespmem:$0x18400] =	vst v63  }
0x2a: {  	s24 =	simm.s32 $0x1C00  }
0x2b: {  	[tilespmem:s24], [sflag:$0x1] =	stream.indirect_vreg.gather [hbm4b:s7+s3], $0x80, v4, vm0, $0xb8;
	[tilespmem:$0x18400] =	vst v63  }
0x2c: {  	s25 =	simm.s32 $0x2400  }
0x2d: {  	[tilespmem:s25], [sflag:$0x1] =	stream.indirect_vreg.gather [hbm4b:s1+s3], $0x80, v3, vm0, $0xb8;
	[tilespmem:$0x18400] =	vst v63  }
0x2e: {  	s19 =	simm.s32 $0x2C00  }
0x2f: {  	[tilespmem:s19], [sflag:$0x1] =	stream.indirect_vreg.gather [hbm4b:s5+s3], $0x80, v3, vm0, $0xb8;
	[tilespmem:$0x18400] =	vst v63  }
0x30: {  	s21 =	simm.s32 $0x3400  }
0x31: {  	[tilespmem:s21], [sflag:$0x1] =	stream.indirect_vreg.gather [hbm4b:s6+s3], $0x80, v3, vm0, $0xb8;
	[tilespmem:$0x18400] =	vst v63  }
0x32: {  	s22 =	simm.s32 $0x3C00  }
0x33: {  	[tilespmem:s22], [sflag:$0x1] =	stream.indirect_vreg.gather [hbm4b:s7+s3], $0x80, v3, vm0, $0xb8;
	[tilespmem:$0x18400] =	vst v63  }
0x34: {  	v3 =	vld [tilespmem:$0x10];
	_ =	sdelay $0x4  }
0x35: {  	v59 =	vshll.u32 v3, $0x3  }
0x36: {  	v3 =	vand.u32 $0x7, v3;
	v4 =	vand.u32 $0xFFFFFFC0, v59  }
0x37: {  	v3 =	vor.u32 v3, v4  }
0x38: {  	v4 =	vperm.xlane v3, v0;
	_ =	sdelay $0x1  }
0x39: {  	v4 =	vadd.s32 v1, v4;
	_ =	sdelay $0x3  }
0x3a: {  	s23 =	simm.s32 $0x4400  }
0x3b: {  	[tilespmem:s23], [sflag:$0x1] =	stream.indirect_vreg.gather [hbm4b:s1+s3], $0x80, v4, vm0, $0xb8;
	[tilespmem:$0x18400] =	vst v63  }
0x3c: {  	s24 =	simm.s32 $0x4C00;
	v3 =	vperm.xlane v3, v2  }
0x3d: {  	[tilespmem:s24], [sflag:$0x1] =	stream.indirect_vreg.gather [hbm4b:s5+s3], $0x80, v4, vm0, $0xb8;
	[tilespmem:$0x18400] =	vst v63  }
0x3e: {  	s25 =	simm.s32 $0x5400;
	v3 =	vadd.s32 v1, v3  }
0x3f: {  	[tilespmem:s25], [sflag:$0x1] =	stream.indirect_vreg.gather [hbm4b:s6+s3], $0x80, v4, vm0, $0xb8;
	[tilespmem:$0x18400] =	vst v63  }
0x40: {  	s19 =	simm.s32 $0x5C00  }
0x41: {  	[tilespmem:s19], [sflag:$0x1] =	stream.indirect_vreg.gather [hbm4b:s7+s3], $0x80, v4, vm0, $0xb8;
	[tilespmem:$0x18400] =	vst v63  }
0x42: {  	s21 =	simm.s32 $0x6400  }
0x43: {  	[tilespmem:s21], [sflag:$0x1] =	stream.indirect_vreg.gather [hbm4b:s1+s3], $0x80, v3, vm0, $0xb8;
	[tilespmem:$0x18400] =	vst v63  }
0x44: {  	s22 =	simm.s32 $0x6C00  }
0x45: {  	[tilespmem:s22], [sflag:$0x1] =	stream.indirect_vreg.gather [hbm4b:s5+s3], $0x80, v3, vm0, $0xb8;
	[tilespmem:$0x18400] =	vst v63  }
0x46: {  	s23 =	simm.s32 $0x7400  }
0x47: {  	[tilespmem:s23], [sflag:$0x1] =	stream.indirect_vreg.gather [hbm4b:s6+s3], $0x80, v3, vm0, $0xb8;
	[tilespmem:$0x18400] =	vst v63  }
0x48: {  	s24 =	simm.s32 $0x7C00  }
0x49: {  	[tilespmem:s24], [sflag:$0x1] =	stream.indirect_vreg.gather [hbm4b:s7+s3], $0x80, v3, vm0, $0xb8;
	[tilespmem:$0x18400] =	vst v63  }
0x4a: {  	v3 =	vld [tilespmem:$0x20];
	_ =	sdelay $0x4  }
0x4b: {  	v60 =	vshll.u32 v3, $0x3  }
0x4c: {  	v3 =	vand.u32 $0x7, v3;
	v4 =	vand.u32 $0xFFFFFFC0, v60  }
0x4d: {  	v3 =	vor.u32 v3, v4  }
0x4e: {  	v4 =	vperm.xlane v3, v0;
	_ =	sdelay $0x1  }
0x4f: {  	v4 =	vadd.s32 v1, v4;
	_ =	sdelay $0x3  }
0x50: {  	s25 =	simm.s32 $0x8400  }
0x51: {  	[tilespmem:s25], [sflag:$0x2] =	stream.indirect_vreg.gather [hbm4b:s1+s3], $0x80, v4, vm0, $0xb8;
	[tilespmem:$0x18400] =	vst v63  }
0x52: {  	s19 =	simm.s32 $0x8C00;
	v3 =	vperm.xlane v3, v2  }
0x53: {  	[tilespmem:s19], [sflag:$0x2] =	stream.indirect_vreg.gather [hbm4b:s5+s3], $0x80, v4, vm0, $0xb8;
	[tilespmem:$0x18400] =	vst v63  }
0x54: {  	s21 =	simm.s32 $0x9400;
	v3 =	vadd.s32 v1, v3  }
0x55: {  	[tilespmem:s21], [sflag:$0x2] =	stream.indirect_vreg.gather [hbm4b:s6+s3], $0x80, v4, vm0, $0xb8;
	[tilespmem:$0x18400] =	vst v63  }
0x56: {  	s22 =	simm.s32 $0x9C00  }
0x57: {  	[tilespmem:s22], [sflag:$0x2] =	stream.indirect_vreg.gather [hbm4b:s7+s3], $0x80, v4, vm0, $0xb8;
	[tilespmem:$0x18400] =	vst v63  }
0x58: {  	s23 =	simm.s32 $0xA400  }
0x59: {  	[tilespmem:s23], [sflag:$0x2] =	stream.indirect_vreg.gather [hbm4b:s1+s3], $0x80, v3, vm0, $0xb8;
	[tilespmem:$0x18400] =	vst v63  }
0x5a: {  	s24 =	simm.s32 $0xAC00  }
0x5b: {  	[tilespmem:s24], [sflag:$0x2] =	stream.indirect_vreg.gather [hbm4b:s5+s3], $0x80, v3, vm0, $0xb8;
	[tilespmem:$0x18400] =	vst v63  }
0x5c: {  	s25 =	simm.s32 $0xB400  }
0x5d: {  	[tilespmem:s25], [sflag:$0x2] =	stream.indirect_vreg.gather [hbm4b:s6+s3], $0x80, v3, vm0, $0xb8;
	[tilespmem:$0x18400] =	vst v63  }
0x5e: {  	s19 =	simm.s32 $0xBC00  }
0x5f: {  	[tilespmem:s19], [sflag:$0x2] =	stream.indirect_vreg.gather [hbm4b:s7+s3], $0x80, v3, vm0, $0xb8;
	[tilespmem:$0x18400] =	vst v63  }
0x60: {  	v3 =	vld [tilespmem:$0x30];
	_ =	sdelay $0x4  }
0x61: {  	v61 =	vshll.u32 v3, $0x3  }
0x62: {  	v3 =	vand.u32 $0x7, v3;
	v4 =	vand.u32 $0xFFFFFFC0, v61  }
0x63: {  	v3 =	vor.u32 v3, v4  }
0x64: {  	v4 =	vperm.xlane v3, v0;
	_ =	sdelay $0x1  }
0x65: {  	v4 =	vadd.s32 v1, v4;
	_ =	sdelay $0x3  }
0x66: {  	s21 =	simm.s32 $0xC400  }
0x67: {  	[tilespmem:s21], [sflag:$0x2] =	stream.indirect_vreg.gather [hbm4b:s1+s3], $0x80, v4, vm0, $0xb8;
	[tilespmem:$0x18400] =	vst v63  }
0x68: {  	s22 =	simm.s32 $0xCC00;
	v3 =	vperm.xlane v3, v2  }
0x69: {  	[tilespmem:s22], [sflag:$0x2] =	stream.indirect_vreg.gather [hbm4b:s5+s3], $0x80, v4, vm0, $0xb8;
	[tilespmem:$0x18400] =	vst v63  }
0x6a: {  	s23 =	simm.s32 $0xD400;
	v3 =	vadd.s32 v1, v3  }
0x6b: {  	[tilespmem:s23], [sflag:$0x2] =	stream.indirect_vreg.gather [hbm4b:s6+s3], $0x80, v4, vm0, $0xb8;
	[tilespmem:$0x18400] =	vst v63  }
0x6c: {  	s24 =	simm.s32 $0xDC00  }
0x6d: {  	[tilespmem:s24], [sflag:$0x2] =	stream.indirect_vreg.gather [hbm4b:s7+s3], $0x80, v4, vm0, $0xb8;
	[tilespmem:$0x18400] =	vst v63  }
0x6e: {  	s25 =	simm.s32 $0xE400  }
0x6f: {  	[tilespmem:s25], [sflag:$0x2] =	stream.indirect_vreg.gather [hbm4b:s1+s3], $0x80, v3, vm0, $0xb8;
	[tilespmem:$0x18400] =	vst v63  }
0x70: {  	s19 =	simm.s32 $0xEC00  }
0x71: {  	[tilespmem:s19], [sflag:$0x2] =	stream.indirect_vreg.gather [hbm4b:s5+s3], $0x80, v3, vm0, $0xb8;
	[tilespmem:$0x18400] =	vst v63  }
0x72: {  	s21 =	simm.s32 $0xF400  }
0x73: {  	[tilespmem:s21], [sflag:$0x2] =	stream.indirect_vreg.gather [hbm4b:s6+s3], $0x80, v3, vm0, $0xb8;
	[tilespmem:$0x18400] =	vst v63  }
0x74: {  	s22 =	simm.s32 $0xFC00  }
0x75: {  	[tilespmem:s22], [sflag:$0x2] =	stream.indirect_vreg.gather [hbm4b:s7+s3], $0x80, v3, vm0, $0xb8;
	[tilespmem:$0x18400] =	vst v63  }
0x76: {  	v3 =	vld [tilespmem:$0x40];
	_ =	sdelay $0x4  }
0x77: {  	v62 =	vshll.u32 v3, $0x3  }
0x78: {  	v3 =	vand.u32 $0x7, v3;
	v4 =	vand.u32 $0xFFFFFFC0, v62  }
0x79: {  	v3 =	vor.u32 v3, v4  }
0x7a: {  	v4 =	vperm.xlane v3, v0;
	_ =	sdelay $0x1  }
0x7b: {  	v4 =	vadd.s32 v1, v4;
	_ =	sdelay $0x3  }
0x7c: {  	s23 =	simm.s32 $0x10400  }
0x7d: {  	[tilespmem:s23], [sflag:$0x3] =	stream.indirect_vreg.gather [hbm4b:s1+s3], $0x80, v4, vm0, $0xb8;
	[tilespmem:$0x18400] =	vst v63  }
0x7e: {  	s24 =	simm.s32 $0x10C00;
	v3 =	vperm.xlane v3, v2  }
0x7f: {  	[tilespmem:s24], [sflag:$0x3] =	stream.indirect_vreg.gather [hbm4b:s5+s3], $0x80, v4, vm0, $0xb8;
	[tilespmem:$0x18400] =	vst v63  }
0x80: {  	s25 =	simm.s32 $0x11400;
	v3 =	vadd.s32 v1, v3  }
0x81: {  	[tilespmem:s25], [sflag:$0x3] =	stream.indirect_vreg.gather [hbm4b:s6+s3], $0x80, v4, vm0, $0xb8;
	[tilespmem:$0x18400] =	vst v63  }
0x82: {  	_ = 	snop  }
0x83: {  	[tilespmem:s26], [sflag:$0x3] =	stream.indirect_vreg.gather [hbm4b:s7+s3], $0x80, v4, vm0, $0xb8;
	[tilespmem:$0x18400] =	vst v63  }
0x84: {  	_ = 	snop  }
0x85: {  	[tilespmem:s28], [sflag:$0x3] =	stream.indirect_vreg.gather [hbm4b:s1+s3], $0x80, v3, vm0, $0xb8;
	[tilespmem:$0x18400] =	vst v63  }
0x86: {  	_ = 	snop  }
0x87: {  	[tilespmem:s29], [sflag:$0x3] =	stream.indirect_vreg.gather [hbm4b:s5+s3], $0x80, v3, vm0, $0xb8;
	[tilespmem:$0x18400] =	vst v63  }
0x88: {  	_ = 	snop  }
0x89: {  	[tilespmem:s30], [sflag:$0x3] =	stream.indirect_vreg.gather [hbm4b:s6+s3], $0x80, v3, vm0, $0xb8;
	[tilespmem:$0x18400] =	vst v63  }
0x8a: {  	_ = 	snop  }
0x8b: {  	[tilespmem:s31], [sflag:$0x3] =	stream.indirect_vreg.gather [hbm4b:s7+s3], $0x80, v3, vm0, $0xb8;
	[tilespmem:$0x18400] =	vst v63  }
0x8c: {  	v3 =	vld [tilespmem:$0x50];
	_ =	sdelay $0x4  }
0x8d: {  	v63 =	vshll.u32 v3, $0x3  }
0x8e: {  	v3 =	vand.u32 $0x7, v3;
	v4 =	vand.u32 $0xFFFFFFC0, v63  }
0x8f: {  	v3 =	vor.u32 v3, v4  }
0x90: {  	v4 =	vperm.xlane v3, v0;
	_ =	sdelay $0x1  }
0x91: {  	v4 =	vadd.s32 v1, v4;
	_ =	sdelay $0x4  }
0x92: {  	[tilespmem:s0], [sflag:$0x3] =	stream.indirect_vreg.gather [hbm4b:s1+s3], $0x80, v4, vm0, $0xb8;
	[tilespmem:$0x18400] =	vst v63  }
0x93: {  	v3 =	vperm.xlane v3, v2  }
0x94: {  	[tilespmem:s2], [sflag:$0x3] =	stream.indirect_vreg.gather [hbm4b:s5+s3], $0x80, v4, vm0, $0xb8;
	[tilespmem:$0x18400] =	vst v63  }
0x95: {  	v3 =	vadd.s32 v1, v3  }
0x96: {  	[tilespmem:s10], [sflag:$0x3] =	stream.indirect_vreg.gather [hbm4b:s6+s3], $0x80, v4, vm0, $0xb8;
	[tilespmem:$0x18400] =	vst v63  }
0x97: {  	_ = 	snop  }
0x98: {  	[tilespmem:s11], [sflag:$0x3] =	stream.indirect_vreg.gather [hbm4b:s7+s3], $0x80, v4, vm0, $0xb8;
	[tilespmem:$0x18400] =	vst v63  }
0x99: {  	_ = 	snop  }
0x9a: {  	[tilespmem:s13], [sflag:$0x3] =	stream.indirect_vreg.gather [hbm4b:s1+s3], $0x80, v3, vm0, $0xb8;
	[tilespmem:$0x18400] =	vst v63  }
0x9b: {  	_ = 	snop  }
0x9c: {  	[tilespmem:s14], [sflag:$0x3] =	stream.indirect_vreg.gather [hbm4b:s5+s3], $0x80, v3, vm0, $0xb8;
	[tilespmem:$0x18400] =	vst v63  }
.Ltmp2:
0x9d: {  	_ = 	snop;
	(pc) =	sbr.rel .LBB2_2-.Ltmp2, $4  }
0x9e: {  	_ = 	snop  }
0x9f: {  	[tilespmem:s15], [sflag:$0x3] =	stream.indirect_vreg.gather [hbm4b:s6+s3], $0x80, v3, vm0, $0xb8;
	[tilespmem:$0x18400] =	vst v63  }
0xa0: {  	s9 =	smov.u32 s20;
	s19 =	simm.s32 $0x50;
	s21 =	simm.s32 $0x0  }
0xa1: {  	[tilespmem:s16], [sflag:$0x3] =	stream.indirect_vreg.gather [hbm4b:s7+s3], $0x80, v3, vm0, $0xb8;
	[tilespmem:$0x18400] =	vst v63  }
.LBB2_4:
0xa2: {  	s22 =	smul.u32 $0xAB, s21;
	_ =	sdelay $0x1  }
0xa3: {  	s22 =	sshrl.u32 s22, $0x9  }
0xa4: {  	s22 =	sand.u32 $0x7F, s22  }
0xa5: {  	s22 =	smul.u32 $0x3, s22;
	_ =	sdelay $0x1  }
0xa6: {  	s22 =	ssub.s32 s21, s22  }
0xa7: {  	s21 =	sadd.s32 $0x1, s21;
	s22 =	sand.u32 $0xFF, s22  }
0xa8: {  	p0 =	sne.s32 s21, $0x20;
	s23 =	sadd.s32 $0x1, s22  }
.Ltmp3:
0xa9: {  	_ =	swait.ge [sflag:s23], $0x8000;
	(pc) =	sbr.rel @!p0 .LBB2_5-.Ltmp3, $4  }
0xaa: {  	s24 =	sshll.u32 s22, $0xF;
	[sflag:s23] =	ssyncset.done $0x0  }
0xab: {  	s22 =	sadd.s32 $0x4, s22;
	s25 =	sor.u32 $0x400, s24;
	[sflag:s23] =	ssyncadd.s32 $0xFFFF8000  }
0xac: {  	[hbm4b:s9+s3] =	stream.linear.scatter [tilespmem:s25], [sflag:s22], $0x8000, $0x38;
	[tilespmem:$0x18400] =	vst v63  }
0xad: {  	s19 =	sadd.s32 $0x20, s19;
	s9 =	sadd.s32 $0x1000, s9  }
.LBB2_2:
0xae: {  	p0 =	seq.s32 s21, $0x0  }
.Ltmp4:
0xaf: {  	_ = 	snop;
	(pc) =	sbr.rel @p0 .LBB2_4-.Ltmp4, $1  }
0xb0: {  	_ =	sdelay $0x3  }
0xb1: {  	s22 =	sadd.s32 $0xFFFFFFFF, s21  }
0xb2: {  	s23 =	sand.u32 $0xFF, s22  }
0xb3: {  	s23 =	smul.u32 $0xAB, s23;
	_ =	sdelay $0x1  }
0xb4: {  	s23 =	sshrl.u32 s23, $0x9  }
0xb5: {  	s23 =	smul.u32 $0x3, s23;
	_ =	sdelay $0x1  }
0xb6: {  	s22 =	ssub.s32 s22, s23  }
0xb7: {  	s22 =	sand.u32 $0xFF, s22  }
0xb8: {  	s25 =	sor.u32 $0x4, s22  }
0xb9: {  	_ =	swait.ge [sflag:s25], $0x8000  }
0xba: {  	[sflag:s25] =	ssyncset.done $0x0  }
0xbb: {  	p0 =	sgt.u32 s21, $0x1D;
	[sflag:s25] =	ssyncadd.s32 $0xFFFF8000  }
0xbc: {  	v3 =	vld @!p0 [tilespmem:s19+$0xFFFFFFF0];
	_ =	sdelay $0x4  }
0xbd: {  	v4 =	vshll.u32 @!p0 v3, $0x3  }
0xbe: {  	v5 =	vlaneseq.u32 @!p0;
	v3 =	vand.u32 @!p0 $0x7, v3;
	v4 =	vand.u32 @!p0 $0xFFFFFFC0, v4  }
0xbf: {  	v6 =	vshrl.u32 @!p0 v5, $0x3;
	v3 =	vor.u32 @!p0 v3, v4;
	v4 =	vand.u32 @!p0 $0x7, v5  }
0xc0: {  	v6 =	vmul.u32 @!p0 $0x8, v6;
	v7 =	vperm.xlane @!p0 v3, v4;
	_ =	sdelay $0x1  }
0xc1: {  	v7 =	vadd.s32 @!p0 v6, v7;
	_ =	sdelay $0x2  }
0xc2: {  	s23 =	sshll.u32 @!p0 s22, $0xF  }
0xc3: {  	vm1 =	vmmov @!p0 $0xffff;
	s22 =	sadd.s32 @!p0 $0x1, s22;
	s24 =	sor.u32 @!p0 $0x400, s23;
	s25 =	simm.s32 @!p0 $0x0  }
0xc4: {  	v5 =	vor.u32 @!p0 $0x8, v5;
	[tilespmem:s24], [sflag:s22] =	stream.indirect_vreg.gather @!p0 [hbm4b:s1+s25], $0x80, v7, vm1, $0xb8;
	[tilespmem:$0x18400] =	vst v63  }
0xc5: {  	v3 =	vperm.xlane @!p0 v3, v5;
	s24 =	sor.u32 @!p0 $0xC00, s23  }
0xc6: {  	[tilespmem:s24], [sflag:s22] =	stream.indirect_vreg.gather @!p0 [hbm4b:s5+s25], $0x80, v7, vm1, $0xb8;
	[tilespmem:$0x18400] =	vst v63  }
0xc7: {  	v3 =	vadd.s32 @!p0 v6, v3;
	s24 =	sor.u32 @!p0 $0x1400, s23  }
0xc8: {  	[tilespmem:s24], [sflag:s22] =	stream.indirect_vreg.gather @!p0 [hbm4b:s6+s25], $0x80, v7, vm1, $0xb8;
	[tilespmem:$0x18400] =	vst v63  }
0xc9: {  	s24 =	sor.u32 @!p0 $0x1C00, s23  }
0xca: {  	[tilespmem:s24], [sflag:s22] =	stream.indirect_vreg.gather @!p0 [hbm4b:s7+s25], $0x80, v7, vm1, $0xb8;
	[tilespmem:$0x18400] =	vst v63  }
0xcb: {  	s24 =	sor.u32 @!p0 $0x2400, s23  }
0xcc: {  	[tilespmem:s24], [sflag:s22] =	stream.indirect_vreg.gather @!p0 [hbm4b:s1+s25], $0x80, v3, vm1, $0xb8;
	[tilespmem:$0x18400] =	vst v63  }
0xcd: {  	s24 =	sor.u32 @!p0 $0x2C00, s23  }
0xce: {  	[tilespmem:s24], [sflag:s22] =	stream.indirect_vreg.gather @!p0 [hbm4b:s5+s25], $0x80, v3, vm1, $0xb8;
	[tilespmem:$0x18400] =	vst v63  }
0xcf: {  	s24 =	sor.u32 @!p0 $0x3400, s23  }
0xd0: {  	[tilespmem:s24], [sflag:s22] =	stream.indirect_vreg.gather @!p0 [hbm4b:s6+s25], $0x80, v3, vm1, $0xb8;
	[tilespmem:$0x18400] =	vst v63  }
0xd1: {  	s24 =	sor.u32 @!p0 $0x3C00, s23  }
0xd2: {  	[tilespmem:s24], [sflag:s22] =	stream.indirect_vreg.gather @!p0 [hbm4b:s7+s25], $0x80, v3, vm1, $0xb8;
	[tilespmem:$0x18400] =	vst v63  }
0xd3: {  	v3 =	vld @!p0 [tilespmem:s19+$0x0];
	_ =	sdelay $0x4  }
0xd4: {  	v7 =	vshll.u32 @!p0 v3, $0x3  }
0xd5: {  	v3 =	vand.u32 @!p0 $0x7, v3;
	v7 =	vand.u32 @!p0 $0xFFFFFFC0, v7  }
0xd6: {  	v3 =	vor.u32 @!p0 v3, v7  }
0xd7: {  	v4 =	vperm.xlane @!p0 v3, v4;
	_ =	sdelay $0x1  }
0xd8: {  	v4 =	vadd.s32 @!p0 v6, v4;
	_ =	sdelay $0x3  }
0xd9: {  	s24 =	sor.u32 @!p0 $0x4400, s23  }
0xda: {  	[tilespmem:s24], [sflag:s22] =	stream.indirect_vreg.gather @!p0 [hbm4b:s1+s25], $0x80, v4, vm1, $0xb8;
	[tilespmem:$0x18400] =	vst v63  }
0xdb: {  	v3 =	vperm.xlane @!p0 v3, v5;
	s24 =	sor.u32 @!p0 $0x4C00, s23  }
0xdc: {  	[tilespmem:s24], [sflag:s22] =	stream.indirect_vreg.gather @!p0 [hbm4b:s5+s25], $0x80, v4, vm1, $0xb8;
	[tilespmem:$0x18400] =	vst v63  }
0xdd: {  	v3 =	vadd.s32 @!p0 v6, v3;
	s24 =	sor.u32 @!p0 $0x5400, s23  }
0xde: {  	[tilespmem:s24], [sflag:s22] =	stream.indirect_vreg.gather @!p0 [hbm4b:s6+s25], $0x80, v4, vm1, $0xb8;
	[tilespmem:$0x18400] =	vst v63  }
0xdf: {  	s24 =	sor.u32 @!p0 $0x5C00, s23  }
0xe0: {  	[tilespmem:s24], [sflag:s22] =	stream.indirect_vreg.gather @!p0 [hbm4b:s7+s25], $0x80, v4, vm1, $0xb8;
	[tilespmem:$0x18400] =	vst v63  }
0xe1: {  	s24 =	sor.u32 @!p0 $0x6400, s23  }
0xe2: {  	[tilespmem:s24], [sflag:s22] =	stream.indirect_vreg.gather @!p0 [hbm4b:s1+s25], $0x80, v3, vm1, $0xb8;
	[tilespmem:$0x18400] =	vst v63  }
0xe3: {  	s24 =	sor.u32 @!p0 $0x6C00, s23  }
0xe4: {  	[tilespmem:s24], [sflag:s22] =	stream.indirect_vreg.gather @!p0 [hbm4b:s5+s25], $0x80, v3, vm1, $0xb8;
	[tilespmem:$0x18400] =	vst v63  }
.Ltmp5:
0xe5: {  	_ = 	snop;
	(pc) =	sbr.rel .LBB2_4-.Ltmp5, $4  }
0xe6: {  	s24 =	sor.u32 @!p0 $0x7400, s23  }
0xe7: {  	[tilespmem:s24], [sflag:s22] =	stream.indirect_vreg.gather @!p0 [hbm4b:s6+s25], $0x80, v3, vm1, $0xb8;
	[tilespmem:$0x18400] =	vst v63  }
0xe8: {  	s23 =	sor.u32 @!p0 $0x7C00, s23  }
0xe9: {  	[tilespmem:s23], [sflag:s22] =	stream.indirect_vreg.gather @!p0 [hbm4b:s7+s25], $0x80, v3, vm1, $0xb8;
	[tilespmem:$0x18400] =	vst v63  }
.LBB2_6:
0xea: {  	_ =	sfence.sel $0x180000  }
0xeb: {  	[bflag:$0x0] =	sbarrier.arrive $0xFFFF  }
0xec: {  	_ =	strace $0x90000047  }
0xed: {  	s0 =	stileid.u32;
	[bflag:$0x2] =	sbarrier.arrive $0xFFFF  }
0xee: {  	p0 =	sne.s32 s0, $0x0;
	s0 =	rddreg [dreg:$0x3]  }
0xef: {  	s0 =	sadd.s32 @!p0 $0x100000, s0  }
0xf0: {  	[sflag:s0] =	ssyncadd.tile.s32 @!p0 $0x1;
	_ =	shalt  }
.Lfunc_end2:
_tile_overlayer_lowered:
.L_overlay_start_2:
0xf1: {  	(tag) =	ssettag $0x2  }
0xf2: {  	s0 =	rddreg [dreg:$0x0];
	s2 =	stileid.u32  }
0xf3: {  	s1 =	rddreg [dreg:$0x1];
	p0 =	sne.s32 s2, $0x0  }
0xf4: {  	s3 =	rddreg [dreg:$0x2];
	[bflag:$0x3] =	sbarrier.arrive $0xFFFF;
	s2 =	simm.s32 @!p0 $0x1C07  }
0xf5: {  	[timem:s3], [sflag:s2] =	dma.local @!p0 [hbm:s0], s1  }
0xf6: {  	s0 =	simm.s32 @!p0 $0x7  }
0xf7: {  	_ =	swait.ge @!p0 [sflag:s0], s1  }
0xf8: {  	s1 =	ssub.s32 @!p0 $0x0, s1;
	[sflag:s0] =	ssyncset.done @!p0 $0x0  }
0xf9: {  	[sflag:s0] =	ssyncadd.s32 @!p0 s1  }
0xfa: {  	[bflag:$0x3] =	sbarrier.arrive $0xFFFF  }
0xfb: {  	_ =	shalt  }

</sc_bundles>
